<compile_context>
chip_gen: v7x
topology: tpu7x:2x2x1
jax: 0.10.2.dev20260603
libtpu: 0.0.44.dev20260713+nightly
codegen_flags: <defaults>
</compile_context>

<pallas_src>
import functools

import jax
import jax.numpy as jnp
from jax import lax
from jax.experimental import pallas as pl
from jax.experimental.pallas import tpu as pltpu
from jax.experimental.pallas import tpu_sc as plsc


def _score_body(hs_ref, w_in_ref, b_in_ref, embed_ref, ind_ref):
    f32 = jnp.float32
    hs = hs_ref[0]
    x = jnp.dot(w_in_ref[...], hs, preferred_element_type=f32)
    x = x + b_in_ref[...]
    s = jnp.dot(embed_ref[...], x, preferred_element_type=f32)
    e2 = jnp.sum(embed_ref[...] * embed_ref[...], axis=1, keepdims=True)
    score = 2.0 * s - e2
    k = score.shape[0]
    mx = jnp.max(score, axis=0, keepdims=True)
    idx = jax.lax.broadcasted_iota(jnp.int32, score.shape, 0)
    ind = jnp.min(jnp.where(score == mx, idx, k), axis=0, keepdims=True)
    ind_ref[0] = ind


def _out_body(q_ref, w_out_ref, b_out_ref, out_ref):
    d = w_out_ref.shape[1]
    q = q_ref[0][:, :d]
    out = lax.dot_general(w_out_ref[...], q,
                          (((1,), (1,)), ((), ())),
                          preferred_element_type=jnp.float32)
    out_ref[0] = out + b_out_ref[...]


_SC_INFO = plsc.get_sparse_core_info()
_NC = _SC_INFO.num_cores
_NW = _NC * _SC_INFO.num_subcores


def _sc_gather(table, idx):
    bt = idx.shape[0]
    d = table.shape[1]
    b_per_w = bt // _NW
    n_chunks = 4
    chunk = b_per_w // n_chunks
    mesh = plsc.VectorSubcoreMesh(core_axis_name="c", subcore_axis_name="s")

    @functools.partial(
        pl.kernel, mesh=mesh,
        out_type=jax.ShapeDtypeStruct((bt, d), jnp.float32),
        scratch_types=[
            pltpu.VMEM((chunk,), jnp.int32),
            pltpu.VMEM((chunk, d), jnp.float32),
            pltpu.VMEM_SHARED((table.shape[0], d), jnp.float32),
            pltpu.SemaphoreType.DMA,
        ],
    )
    def gather_kernel(table_hbm, idx_hbm, out_hbm, idx_v, rows_v, table_sp,
                      sem):
        sid = lax.axis_index("s")
        wid = sid * _NC + lax.axis_index("c")
        base = wid * b_per_w
        @pl.when(sid == 0)
        def _stage():
            pltpu.sync_copy(table_hbm, table_sp)
        plsc.subcore_barrier()
        for c in range(n_chunks):
            off = base + c * chunk
            pltpu.sync_copy(idx_hbm.at[pl.ds(off, chunk)], idx_v)
            pltpu.async_copy(table_sp.at[idx_v], rows_v, sem).wait()
            pltpu.sync_copy(rows_v, out_hbm.at[pl.ds(off, chunk)])

    return gather_kernel(table, idx)


@functools.partial(jax.jit, static_argnames=())
def kernel(hidden_states, W_in, b_in, embed, W_out, b_out):
    B, H, T = hidden_states.shape
    D = W_in.shape[0]
    K = embed.shape[0]

    b_in_c = b_in.reshape(D, 1)
    b_out_c = b_out.reshape(H, 1)
    rep = lambda *_: (0, 0)

    ind = pl.pallas_call(
        _score_body,
        grid=(B,),
        in_specs=[
            pl.BlockSpec((1, H, T), lambda b: (b, 0, 0)),
            pl.BlockSpec((D, H), rep),
            pl.BlockSpec((D, 1), rep),
            pl.BlockSpec((K, D), rep),
        ],
        out_specs=pl.BlockSpec((1, 1, T), lambda b: (b, 0, 0)),
        out_shape=jax.ShapeDtypeStruct((B, 1, T), jnp.int32),
        compiler_params=pltpu.CompilerParams(
            dimension_semantics=("parallel",)),
    )(hidden_states, W_in, b_in_c, embed)

    DP = 128
    embed_pad = jnp.pad(embed, ((0, 0), (0, DP - D)))
    quant = _sc_gather(embed_pad, ind.reshape(B * T))

    out = pl.pallas_call(
        _out_body,
        grid=(B,),
        in_specs=[
            pl.BlockSpec((1, T, DP), lambda b: (b, 0, 0)),
            pl.BlockSpec((H, D), rep),
            pl.BlockSpec((H, 1), rep),
        ],
        out_specs=pl.BlockSpec((1, H, T), lambda b: (b, 0, 0)),
        out_shape=jax.ShapeDtypeStruct((B, H, T), jnp.float32),
        compiler_params=pltpu.CompilerParams(
            dimension_semantics=("parallel",)),
    )(quant.reshape(B, T, DP), W_out, b_out_c)
    return out

# --- scband reference (transcript-rebuilt; emitter-appended) ---
"""Pipeline reference for scband-higgs-audio-v2-tokenizer-vector-quantization-45406394253484 (READ-ONLY COPY).

The authoritative reference and input builder live on the scoring server;
editing this copy changes nothing except your own understanding.
"""

import jax, jax.numpy as jnp
import numpy as np

B, H, T = 16, 1024, 2048
K, D = 1024, 64

def setup_inputs(seed: int = 0) -> dict:
    key = jax.random.key(seed)
    k1, k2, k3, k4, k5, k6 = jax.random.split(key, 6)
    hidden_states = jax.random.normal(k1, (B, H, T), dtype=jnp.float32)
    W_in = jax.random.normal(k2, (D, H), dtype=jnp.float32) * 0.02
    b_in = jnp.zeros((D,), dtype=jnp.float32)
    embed = jax.random.normal(k3, (K, D), dtype=jnp.float32)
    W_out = jax.random.normal(k4, (H, D), dtype=jnp.float32) * 0.02
    b_out = jnp.zeros((H,), dtype=jnp.float32)
    return {"hidden_states": hidden_states, "W_in": W_in, "b_in": b_in,
            "embed": embed, "W_out": W_out, "b_out": b_out}

def reference(hidden_states, W_in, b_in, embed, W_out, b_out):
    # encode: permute(0,2,1) -> project_in -> euclidean codebook nearest neighbor
    x = jnp.transpose(hidden_states, (0, 2, 1))  # [B, T, H]
    x = x @ W_in.T + b_in                        # [B, T, D]
    flat = x.reshape(-1, D)                      # [B*T, D]
    # negative squared euclidean distance to each codebook entry
    dist = -(jnp.sum(flat ** 2, axis=1, keepdims=True)
             - 2.0 * flat @ embed.T
             + jnp.sum(embed ** 2, axis=1)[None, :])  # [B*T, K]
    embed_ind = jnp.argmax(dist, axis=-1).reshape(B, T)  # [B, T] int
    # decode: codebook lookup -> project_out -> permute back
    quantize = jnp.take(embed, embed_ind, axis=0)  # [B, T, D]
    quantize = quantize @ W_out.T + b_out          # [B, T, H]
    quantize = jnp.transpose(quantize, (0, 2, 1))  # [B, H, T]
    return quantize

if __name__ == "__main__":
    import jax
    _d = setup_inputs()
    print(jax.jit(kernel)(*tuple(_d.values())))

</pallas_src>

<mosaic_0001>
#map = affine_map<(d0, d1) -> (0, 0)>
#map1 = affine_map<(d0, d1) -> (0)>
module attributes {stable_mosaic.version = 14 : i64} {
  func.func @gather_kernel(%arg0: i32, %arg1: i32, %arg2: memref<1024x128xf32, #tpu.memory_space<hbm>>, %arg3: memref<32768xi32, #tpu.memory_space<hbm>>, %arg4: memref<32768x128xf32, #tpu.memory_space<hbm>>, %arg5: memref<256xi32, #tpu.memory_space<vmem>>, %arg6: memref<256x128xf32, #tpu.memory_space<vmem>>, %arg7: memref<1024x128xf32, #tpu.memory_space<vmem_shared>>, %arg8: memref<!tpu.dma_semaphore, #tpu.memory_space<semaphore_mem>>) attributes {dimension_semantics = [#tpu.dimension_semantics<core_parallel>, #tpu.dimension_semantics<subcore_parallel>], iteration_bounds = array<i64: 2, 16>, scalar_prefetch = 0 : i64, scratch_operands = 4 : i64, tpu.core_type = #tpu.core_type<sc_vector_subcore>, window_params = [{transform_indices = #map}, {transform_indices = #map1}, {transform_indices = #map}]} {
    %mul3A = arith.constant 2 : i32
    %mul3A_0 = arith.muli %arg1, %mul3A : i32
    %add3A = arith.addi %mul3A_0, %arg0 : i32
    %mul3A_1 = arith.constant 1024 : i32
    %mul3A_2 = arith.muli %add3A, %mul3A_1 : i32
    %eq3A = arith.constant 0 : i32
    %eq3A_3 = arith.cmpi eq, %arg1, %eq3A : i32
    %convert_element_type3A = arith.extui %eq3A_3 : i1 to i32
    %cond3A = arith.constant 0 : i32
    %cond3A_4 = arith.cmpi ne, %convert_element_type3A, %cond3A : i32
    scf.if %cond3A_4 {
      "tpu.region"() ({
        %run_scoped3A = tpu.sem_alloc : memref<!tpu.dma_semaphore, #tpu.memory_space<semaphore_mem>>
        tpu.enqueue_dma source(%arg2 : memref<1024x128xf32, #tpu.memory_space<hbm>>) target(%arg7 : memref<1024x128xf32, #tpu.memory_space<vmem_shared>>) target_semaphore(%run_scoped3A : memref<!tpu.dma_semaphore, #tpu.memory_space<semaphore_mem>>)
        tpu.wait_dma2 semaphore(%run_scoped3A : memref<!tpu.dma_semaphore, #tpu.memory_space<semaphore_mem>>) src(%arg2 : memref<1024x128xf32, #tpu.memory_space<hbm>>) dst(%arg7 : memref<1024x128xf32, #tpu.memory_space<vmem_shared>>)
        tpu.yield
      }) : () -> ()
    } else {
    }
    %barrier3A = arith.constant 0 : index
    tpu.barrier barrier_id(%barrier3A)
    %add3A_5 = arith.constant 0 : i32
    %add3A_6 = arith.addi %mul3A_2, %add3A_5 : i32
    "tpu.region"() ({
      %run_scoped3A = tpu.sem_alloc : memref<!tpu.dma_semaphore, #tpu.memory_space<semaphore_mem>>
      %dma_start3A_35 = tpu.memref_slice %arg3[%add3A_6] : memref<32768xi32, #tpu.memory_space<hbm>> -> memref<256xi32, #tpu.memory_space<hbm>>
      %dma_start3A_36 = tpu.memref_slice %arg3[%add3A_6] : memref<32768xi32, #tpu.memory_space<hbm>> -> memref<256xi32, #tpu.memory_space<hbm>>
      tpu.enqueue_dma source(%dma_start3A_36 : memref<256xi32, #tpu.memory_space<hbm>>) target(%arg5 : memref<256xi32, #tpu.memory_space<vmem>>) target_semaphore(%run_scoped3A : memref<!tpu.dma_semaphore, #tpu.memory_space<semaphore_mem>>)
      %dma_wait3A_37 = tpu.memref_slice %arg3[%add3A_6] : memref<32768xi32, #tpu.memory_space<hbm>> -> memref<256xi32, #tpu.memory_space<hbm>>
      %dma_wait3A_38 = tpu.memref_slice %arg3[%add3A_6] : memref<32768xi32, #tpu.memory_space<hbm>> -> memref<256xi32, #tpu.memory_space<hbm>>
      tpu.wait_dma2 semaphore(%run_scoped3A : memref<!tpu.dma_semaphore, #tpu.memory_space<semaphore_mem>>) src(%dma_wait3A_38 : memref<256xi32, #tpu.memory_space<hbm>>) dst(%arg5 : memref<256xi32, #tpu.memory_space<vmem>>)
      tpu.yield
    }) : () -> ()
    %dma_start3A = arith.constant 0 : i32
    %dma_start3A_7 = arith.constant 0 : i32
    %dma_start3A_8 = tpu.memref_slice %arg7[%dma_start3A, %dma_start3A_7] : memref<1024x128xf32, #tpu.memory_space<vmem_shared>> -> memref<1024x128xf32, #tpu.memory_space<vmem_shared>>
    tpu.enqueue_indirect_dma source(%dma_start3A_8 : memref<1024x128xf32, #tpu.memory_space<vmem_shared>>) target(%arg6 : memref<256x128xf32, #tpu.memory_space<vmem>>) offsets(%arg5 : memref<256xi32, #tpu.memory_space<vmem>>) semaphore(%arg8 : memref<!tpu.dma_semaphore, #tpu.memory_space<semaphore_mem>>)
    %dma_wait3A = arith.constant 0 : i32
    %dma_wait3A_9 = arith.constant 0 : i32
    %dma_wait3A_10 = tpu.memref_slice %arg7[%dma_wait3A, %dma_wait3A_9] : memref<1024x128xf32, #tpu.memory_space<vmem_shared>> -> memref<1024x128xf32, #tpu.memory_space<vmem_shared>>
    tpu.wait_indirect_dma semaphore(%arg8 : memref<!tpu.dma_semaphore, #tpu.memory_space<semaphore_mem>>) src(%dma_wait3A_10 : memref<1024x128xf32, #tpu.memory_space<vmem_shared>>) dst(%arg6 : memref<256x128xf32, #tpu.memory_space<vmem>>)
    "tpu.region"() ({
      %run_scoped3A = tpu.sem_alloc : memref<!tpu.dma_semaphore, #tpu.memory_space<semaphore_mem>>
      %dma_start3A_35 = arith.constant 0 : i32
      %dma_start3A_36 = tpu.memref_slice %arg4[%add3A_6, %dma_start3A_35] : memref<32768x128xf32, #tpu.memory_space<hbm>> -> memref<256x128xf32, #tpu.memory_space<hbm>>
      %dma_start3A_37 = arith.constant 0 : i32
      %dma_start3A_38 = tpu.memref_slice %arg4[%add3A_6, %dma_start3A_37] : memref<32768x128xf32, #tpu.memory_space<hbm>> -> memref<256x128xf32, #tpu.memory_space<hbm>>
      tpu.enqueue_dma source(%arg6 : memref<256x128xf32, #tpu.memory_space<vmem>>) target(%dma_start3A_38 : memref<256x128xf32, #tpu.memory_space<hbm>>) target_semaphore(%run_scoped3A : memref<!tpu.dma_semaphore, #tpu.memory_space<semaphore_mem>>)
      %dma_wait3A_39 = arith.constant 0 : i32
      %dma_wait3A_40 = tpu.memref_slice %arg4[%add3A_6, %dma_wait3A_39] : memref<32768x128xf32, #tpu.memory_space<hbm>> -> memref<256x128xf32, #tpu.memory_space<hbm>>
      %dma_wait3A_41 = arith.constant 0 : i32
      %dma_wait3A_42 = tpu.memref_slice %arg4[%add3A_6, %dma_wait3A_41] : memref<32768x128xf32, #tpu.memory_space<hbm>> -> memref<256x128xf32, #tpu.memory_space<hbm>>
      tpu.wait_dma2 semaphore(%run_scoped3A : memref<!tpu.dma_semaphore, #tpu.memory_space<semaphore_mem>>) src(%arg6 : memref<256x128xf32, #tpu.memory_space<vmem>>) dst(%dma_wait3A_42 : memref<256x128xf32, #tpu.memory_space<hbm>>)
      tpu.yield
    }) : () -> ()
    %add3A_11 = arith.constant 256 : i32
    %add3A_12 = arith.addi %mul3A_2, %add3A_11 : i32
    "tpu.region"() ({
      %run_scoped3A = tpu.sem_alloc : memref<!tpu.dma_semaphore, #tpu.memory_space<semaphore_mem>>
      %dma_start3A_35 = tpu.memref_slice %arg3[%add3A_12] : memref<32768xi32, #tpu.memory_space<hbm>> -> memref<256xi32, #tpu.memory_space<hbm>>
      %dma_start3A_36 = tpu.memref_slice %arg3[%add3A_12] : memref<32768xi32, #tpu.memory_space<hbm>> -> memref<256xi32, #tpu.memory_space<hbm>>
      tpu.enqueue_dma source(%dma_start3A_36 : memref<256xi32, #tpu.memory_space<hbm>>) target(%arg5 : memref<256xi32, #tpu.memory_space<vmem>>) target_semaphore(%run_scoped3A : memref<!tpu.dma_semaphore, #tpu.memory_space<semaphore_mem>>)
      %dma_wait3A_37 = tpu.memref_slice %arg3[%add3A_12] : memref<32768xi32, #tpu.memory_space<hbm>> -> memref<256xi32, #tpu.memory_space<hbm>>
      %dma_wait3A_38 = tpu.memref_slice %arg3[%add3A_12] : memref<32768xi32, #tpu.memory_space<hbm>> -> memref<256xi32, #tpu.memory_space<hbm>>
      tpu.wait_dma2 semaphore(%run_scoped3A : memref<!tpu.dma_semaphore, #tpu.memory_space<semaphore_mem>>) src(%dma_wait3A_38 : memref<256xi32, #tpu.memory_space<hbm>>) dst(%arg5 : memref<256xi32, #tpu.memory_space<vmem>>)
      tpu.yield
    }) : () -> ()
    %dma_start3A_13 = arith.constant 0 : i32
    %dma_start3A_14 = arith.constant 0 : i32
    %dma_start3A_15 = tpu.memref_slice %arg7[%dma_start3A_13, %dma_start3A_14] : memref<1024x128xf32, #tpu.memory_space<vmem_shared>> -> memref<1024x128xf32, #tpu.memory_space<vmem_shared>>
    tpu.enqueue_indirect_dma source(%dma_start3A_15 : memref<1024x128xf32, #tpu.memory_space<vmem_shared>>) target(%arg6 : memref<256x128xf32, #tpu.memory_space<vmem>>) offsets(%arg5 : memref<256xi32, #tpu.memory_space<vmem>>) semaphore(%arg8 : memref<!tpu.dma_semaphore, #tpu.memory_space<semaphore_mem>>)
    %dma_wait3A_16 = arith.constant 0 : i32
    %dma_wait3A_17 = arith.constant 0 : i32
    %dma_wait3A_18 = tpu.memref_slice %arg7[%dma_wait3A_16, %dma_wait3A_17] : memref<1024x128xf32, #tpu.memory_space<vmem_shared>> -> memref<1024x128xf32, #tpu.memory_space<vmem_shared>>
    tpu.wait_indirect_dma semaphore(%arg8 : memref<!tpu.dma_semaphore, #tpu.memory_space<semaphore_mem>>) src(%dma_wait3A_18 : memref<1024x128xf32, #tpu.memory_space<vmem_shared>>) dst(%arg6 : memref<256x128xf32, #tpu.memory_space<vmem>>)
    "tpu.region"() ({
      %run_scoped3A = tpu.sem_alloc : memref<!tpu.dma_semaphore, #tpu.memory_space<semaphore_mem>>
      %dma_start3A_35 = arith.constant 0 : i32
      %dma_start3A_36 = tpu.memref_slice %arg4[%add3A_12, %dma_start3A_35] : memref<32768x128xf32, #tpu.memory_space<hbm>> -> memref<256x128xf32, #tpu.memory_space<hbm>>
      %dma_start3A_37 = arith.constant 0 : i32
      %dma_start3A_38 = tpu.memref_slice %arg4[%add3A_12, %dma_start3A_37] : memref<32768x128xf32, #tpu.memory_space<hbm>> -> memref<256x128xf32, #tpu.memory_space<hbm>>
      tpu.enqueue_dma source(%arg6 : memref<256x128xf32, #tpu.memory_space<vmem>>) target(%dma_start3A_38 : memref<256x128xf32, #tpu.memory_space<hbm>>) target_semaphore(%run_scoped3A : memref<!tpu.dma_semaphore, #tpu.memory_space<semaphore_mem>>)
      %dma_wait3A_39 = arith.constant 0 : i32
      %dma_wait3A_40 = tpu.memref_slice %arg4[%add3A_12, %dma_wait3A_39] : memref<32768x128xf32, #tpu.memory_space<hbm>> -> memref<256x128xf32, #tpu.memory_space<hbm>>
      %dma_wait3A_41 = arith.constant 0 : i32
      %dma_wait3A_42 = tpu.memref_slice %arg4[%add3A_12, %dma_wait3A_41] : memref<32768x128xf32, #tpu.memory_space<hbm>> -> memref<256x128xf32, #tpu.memory_space<hbm>>
      tpu.wait_dma2 semaphore(%run_scoped3A : memref<!tpu.dma_semaphore, #tpu.memory_space<semaphore_mem>>) src(%arg6 : memref<256x128xf32, #tpu.memory_space<vmem>>) dst(%dma_wait3A_42 : memref<256x128xf32, #tpu.memory_space<hbm>>)
      tpu.yield
    }) : () -> ()
    %add3A_19 = arith.constant 512 : i32
    %add3A_20 = arith.addi %mul3A_2, %add3A_19 : i32
    "tpu.region"() ({
      %run_scoped3A = tpu.sem_alloc : memref<!tpu.dma_semaphore, #tpu.memory_space<semaphore_mem>>
      %dma_start3A_35 = tpu.memref_slice %arg3[%add3A_20] : memref<32768xi32, #tpu.memory_space<hbm>> -> memref<256xi32, #tpu.memory_space<hbm>>
      %dma_start3A_36 = tpu.memref_slice %arg3[%add3A_20] : memref<32768xi32, #tpu.memory_space<hbm>> -> memref<256xi32, #tpu.memory_space<hbm>>
      tpu.enqueue_dma source(%dma_start3A_36 : memref<256xi32, #tpu.memory_space<hbm>>) target(%arg5 : memref<256xi32, #tpu.memory_space<vmem>>) target_semaphore(%run_scoped3A : memref<!tpu.dma_semaphore, #tpu.memory_space<semaphore_mem>>)
      %dma_wait3A_37 = tpu.memref_slice %arg3[%add3A_20] : memref<32768xi32, #tpu.memory_space<hbm>> -> memref<256xi32, #tpu.memory_space<hbm>>
      %dma_wait3A_38 = tpu.memref_slice %arg3[%add3A_20] : memref<32768xi32, #tpu.memory_space<hbm>> -> memref<256xi32, #tpu.memory_space<hbm>>
      tpu.wait_dma2 semaphore(%run_scoped3A : memref<!tpu.dma_semaphore, #tpu.memory_space<semaphore_mem>>) src(%dma_wait3A_38 : memref<256xi32, #tpu.memory_space<hbm>>) dst(%arg5 : memref<256xi32, #tpu.memory_space<vmem>>)
      tpu.yield
    }) : () -> ()
    %dma_start3A_21 = arith.constant 0 : i32
    %dma_start3A_22 = arith.constant 0 : i32
    %dma_start3A_23 = tpu.memref_slice %arg7[%dma_start3A_21, %dma_start3A_22] : memref<1024x128xf32, #tpu.memory_space<vmem_shared>> -> memref<1024x128xf32, #tpu.memory_space<vmem_shared>>
    tpu.enqueue_indirect_dma source(%dma_start3A_23 : memref<1024x128xf32, #tpu.memory_space<vmem_shared>>) target(%arg6 : memref<256x128xf32, #tpu.memory_space<vmem>>) offsets(%arg5 : memref<256xi32, #tpu.memory_space<vmem>>) semaphore(%arg8 : memref<!tpu.dma_semaphore, #tpu.memory_space<semaphore_mem>>)
    %dma_wait3A_24 = arith.constant 0 : i32
    %dma_wait3A_25 = arith.constant 0 : i32
    %dma_wait3A_26 = tpu.memref_slice %arg7[%dma_wait3A_24, %dma_wait3A_25] : memref<1024x128xf32, #tpu.memory_space<vmem_shared>> -> memref<1024x128xf32, #tpu.memory_space<vmem_shared>>
    tpu.wait_indirect_dma semaphore(%arg8 : memref<!tpu.dma_semaphore, #tpu.memory_space<semaphore_mem>>) src(%dma_wait3A_26 : memref<1024x128xf32, #tpu.memory_space<vmem_shared>>) dst(%arg6 : memref<256x128xf32, #tpu.memory_space<vmem>>)
    "tpu.region"() ({
      %run_scoped3A = tpu.sem_alloc : memref<!tpu.dma_semaphore, #tpu.memory_space<semaphore_mem>>
      %dma_start3A_35 = arith.constant 0 : i32
      %dma_start3A_36 = tpu.memref_slice %arg4[%add3A_20, %dma_start3A_35] : memref<32768x128xf32, #tpu.memory_space<hbm>> -> memref<256x128xf32, #tpu.memory_space<hbm>>
      %dma_start3A_37 = arith.constant 0 : i32
      %dma_start3A_38 = tpu.memref_slice %arg4[%add3A_20, %dma_start3A_37] : memref<32768x128xf32, #tpu.memory_space<hbm>> -> memref<256x128xf32, #tpu.memory_space<hbm>>
      tpu.enqueue_dma source(%arg6 : memref<256x128xf32, #tpu.memory_space<vmem>>) target(%dma_start3A_38 : memref<256x128xf32, #tpu.memory_space<hbm>>) target_semaphore(%run_scoped3A : memref<!tpu.dma_semaphore, #tpu.memory_space<semaphore_mem>>)
      %dma_wait3A_39 = arith.constant 0 : i32
      %dma_wait3A_40 = tpu.memref_slice %arg4[%add3A_20, %dma_wait3A_39] : memref<32768x128xf32, #tpu.memory_space<hbm>> -> memref<256x128xf32, #tpu.memory_space<hbm>>
      %dma_wait3A_41 = arith.constant 0 : i32
      %dma_wait3A_42 = tpu.memref_slice %arg4[%add3A_20, %dma_wait3A_41] : memref<32768x128xf32, #tpu.memory_space<hbm>> -> memref<256x128xf32, #tpu.memory_space<hbm>>
      tpu.wait_dma2 semaphore(%run_scoped3A : memref<!tpu.dma_semaphore, #tpu.memory_space<semaphore_mem>>) src(%arg6 : memref<256x128xf32, #tpu.memory_space<vmem>>) dst(%dma_wait3A_42 : memref<256x128xf32, #tpu.memory_space<hbm>>)
      tpu.yield
    }) : () -> ()
    %add3A_27 = arith.constant 768 : i32
    %add3A_28 = arith.addi %mul3A_2, %add3A_27 : i32
    "tpu.region"() ({
      %run_scoped3A = tpu.sem_alloc : memref<!tpu.dma_semaphore, #tpu.memory_space<semaphore_mem>>
      %dma_start3A_35 = tpu.memref_slice %arg3[%add3A_28] : memref<32768xi32, #tpu.memory_space<hbm>> -> memref<256xi32, #tpu.memory_space<hbm>>
      %dma_start3A_36 = tpu.memref_slice %arg3[%add3A_28] : memref<32768xi32, #tpu.memory_space<hbm>> -> memref<256xi32, #tpu.memory_space<hbm>>
      tpu.enqueue_dma source(%dma_start3A_36 : memref<256xi32, #tpu.memory_space<hbm>>) target(%arg5 : memref<256xi32, #tpu.memory_space<vmem>>) target_semaphore(%run_scoped3A : memref<!tpu.dma_semaphore, #tpu.memory_space<semaphore_mem>>)
      %dma_wait3A_37 = tpu.memref_slice %arg3[%add3A_28] : memref<32768xi32, #tpu.memory_space<hbm>> -> memref<256xi32, #tpu.memory_space<hbm>>
      %dma_wait3A_38 = tpu.memref_slice %arg3[%add3A_28] : memref<32768xi32, #tpu.memory_space<hbm>> -> memref<256xi32, #tpu.memory_space<hbm>>
      tpu.wait_dma2 semaphore(%run_scoped3A : memref<!tpu.dma_semaphore, #tpu.memory_space<semaphore_mem>>) src(%dma_wait3A_38 : memref<256xi32, #tpu.memory_space<hbm>>) dst(%arg5 : memref<256xi32, #tpu.memory_space<vmem>>)
      tpu.yield
    }) : () -> ()
    %dma_start3A_29 = arith.constant 0 : i32
    %dma_start3A_30 = arith.constant 0 : i32
    %dma_start3A_31 = tpu.memref_slice %arg7[%dma_start3A_29, %dma_start3A_30] : memref<1024x128xf32, #tpu.memory_space<vmem_shared>> -> memref<1024x128xf32, #tpu.memory_space<vmem_shared>>
    tpu.enqueue_indirect_dma source(%dma_start3A_31 : memref<1024x128xf32, #tpu.memory_space<vmem_shared>>) target(%arg6 : memref<256x128xf32, #tpu.memory_space<vmem>>) offsets(%arg5 : memref<256xi32, #tpu.memory_space<vmem>>) semaphore(%arg8 : memref<!tpu.dma_semaphore, #tpu.memory_space<semaphore_mem>>)
    %dma_wait3A_32 = arith.constant 0 : i32
    %dma_wait3A_33 = arith.constant 0 : i32
    %dma_wait3A_34 = tpu.memref_slice %arg7[%dma_wait3A_32, %dma_wait3A_33] : memref<1024x128xf32, #tpu.memory_space<vmem_shared>> -> memref<1024x128xf32, #tpu.memory_space<vmem_shared>>
    tpu.wait_indirect_dma semaphore(%arg8 : memref<!tpu.dma_semaphore, #tpu.memory_space<semaphore_mem>>) src(%dma_wait3A_34 : memref<1024x128xf32, #tpu.memory_space<vmem_shared>>) dst(%arg6 : memref<256x128xf32, #tpu.memory_space<vmem>>)
    "tpu.region"() ({
      %run_scoped3A = tpu.sem_alloc : memref<!tpu.dma_semaphore, #tpu.memory_space<semaphore_mem>>
      %dma_start3A_35 = arith.constant 0 : i32
      %dma_start3A_36 = tpu.memref_slice %arg4[%add3A_28, %dma_start3A_35] : memref<32768x128xf32, #tpu.memory_space<hbm>> -> memref<256x128xf32, #tpu.memory_space<hbm>>
      %dma_start3A_37 = arith.constant 0 : i32
      %dma_start3A_38 = tpu.memref_slice %arg4[%add3A_28, %dma_start3A_37] : memref<32768x128xf32, #tpu.memory_space<hbm>> -> memref<256x128xf32, #tpu.memory_space<hbm>>
      tpu.enqueue_dma source(%arg6 : memref<256x128xf32, #tpu.memory_space<vmem>>) target(%dma_start3A_38 : memref<256x128xf32, #tpu.memory_space<hbm>>) target_semaphore(%run_scoped3A : memref<!tpu.dma_semaphore, #tpu.memory_space<semaphore_mem>>)
      %dma_wait3A_39 = arith.constant 0 : i32
      %dma_wait3A_40 = tpu.memref_slice %arg4[%add3A_28, %dma_wait3A_39] : memref<32768x128xf32, #tpu.memory_space<hbm>> -> memref<256x128xf32, #tpu.memory_space<hbm>>
      %dma_wait3A_41 = arith.constant 0 : i32
      %dma_wait3A_42 = tpu.memref_slice %arg4[%add3A_28, %dma_wait3A_41] : memref<32768x128xf32, #tpu.memory_space<hbm>> -> memref<256x128xf32, #tpu.memory_space<hbm>>
      tpu.wait_dma2 semaphore(%run_scoped3A : memref<!tpu.dma_semaphore, #tpu.memory_space<semaphore_mem>>) src(%arg6 : memref<256x128xf32, #tpu.memory_space<vmem>>) dst(%dma_wait3A_42 : memref<256x128xf32, #tpu.memory_space<hbm>>)
      tpu.yield
    }) : () -> ()
    return
  }
}

module attributes {stable_mosaic.version = 14 : i64} {
  func.func @_score_body(%arg0: i32, %arg1: memref<1x1024x2048xf32, #tpu.memory_space<vmem>>, %arg2: memref<64x1024xf32, #tpu.memory_space<vmem>>, %arg3: memref<64x1xf32, #tpu.memory_space<vmem>>, %arg4: memref<1024x64xf32, #tpu.memory_space<vmem>>, %arg5: memref<1x1x2048xi32, #tpu.memory_space<vmem>>) attributes {dimension_semantics = [#tpu.dimension_semantics<parallel>], iteration_bounds = array<i64: 16>, scalar_prefetch = 0 : i64, scratch_operands = 0 : i64, tpu.core_type = #tpu.core_type<tc>, window_params = [{transform_indices = @transform_0, window_bounds = array<i64: 1, 1024, 2048>}, {pipeline_mode = #tpu.pipeline_mode<synchronous>, transform_indices = @transform_1, window_bounds = array<i64: 64, 1024>}, {pipeline_mode = #tpu.pipeline_mode<synchronous>, transform_indices = @transform_2, window_bounds = array<i64: 64, 1>}, {pipeline_mode = #tpu.pipeline_mode<synchronous>, transform_indices = @transform_3, window_bounds = array<i64: 1024, 64>}, {transform_indices = @transform_4, window_bounds = array<i64: 1, 1, 2048>}]} {
    %get3A = arith.constant 0 : index
    %get3A_0 = arith.constant 0 : index
    %get3A_1 = arith.constant 0 : index
    %get3A_2 = vector.load %arg1[%get3A, %get3A_0, %get3A_1] : memref<1x1024x2048xf32, #tpu.memory_space<vmem>>, vector<1x1024x2048xf32>
    %get3A_3 = vector.shape_cast %get3A_2 : vector<1x1024x2048xf32> to vector<1024x2048xf32>
    %get3A_4 = arith.constant 0 : index
    %get3A_5 = arith.constant 0 : index
    %get3A_6 = vector.load %arg2[%get3A_4, %get3A_5] : memref<64x1024xf32, #tpu.memory_space<vmem>>, vector<64x1024xf32>
    %dot_general3A = arith.constant dense<0.000000e+00> : vector<64x2048xf32>
    %dot_general3A_7 = tpu.matmul %get3A_6, %get3A_3, %dot_general3A {dimension_numbers = #tpu.dot_dimension_numbers<[1], [0], [0], [1], [0, 0, 1, 1], [], []>, transpose_lhs_hint = false} : vector<64x1024xf32>, vector<1024x2048xf32>, vector<64x2048xf32> -> vector<64x2048xf32>
    %get3A_8 = arith.constant 0 : index
    %get3A_9 = arith.constant 0 : index
    %get3A_10 = vector.load %arg3[%get3A_8, %get3A_9] : memref<64x1xf32, #tpu.memory_space<vmem>>, vector<64x1xf32>
    %add3A = vector.broadcast %get3A_10 : vector<64x1xf32> to vector<64x2048xf32>
    %add3A_11 = arith.addf %dot_general3A_7, %add3A : vector<64x2048xf32>
    %get3A_12 = arith.constant 0 : index
    %get3A_13 = arith.constant 0 : index
    %get3A_14 = vector.load %arg4[%get3A_12, %get3A_13] : memref<1024x64xf32, #tpu.memory_space<vmem>>, vector<1024x64xf32>
    %dot_general3A_15 = arith.constant dense<0.000000e+00> : vector<1024x2048xf32>
    %dot_general3A_16 = tpu.matmul %get3A_14, %add3A_11, %dot_general3A_15 {dimension_numbers = #tpu.dot_dimension_numbers<[1], [0], [0], [1], [0, 0, 1, 1], [], []>, transpose_lhs_hint = false} : vector<1024x64xf32>, vector<64x2048xf32>, vector<1024x2048xf32> -> vector<1024x2048xf32>
    %get3A_17 = arith.constant 0 : index
    %get3A_18 = arith.constant 0 : index
    %get3A_19 = vector.load %arg4[%get3A_17, %get3A_18] : memref<1024x64xf32, #tpu.memory_space<vmem>>, vector<1024x64xf32>
    %get3A_20 = arith.constant 0 : index
    %get3A_21 = arith.constant 0 : index
    %get3A_22 = vector.load %arg4[%get3A_20, %get3A_21] : memref<1024x64xf32, #tpu.memory_space<vmem>>, vector<1024x64xf32>
    %mul3A = arith.mulf %get3A_19, %get3A_22 : vector<1024x64xf32>
    %reduce_sum3A = arith.constant dense<0.000000e+00> : vector<1024xf32>
    %reduce_sum3A_23 = vector.multi_reduction <add>, %mul3A, %reduce_sum3A [1] : vector<1024x64xf32> to vector<1024xf32>
    %broadcast_in_dim3A = vector.shape_cast %reduce_sum3A_23 : vector<1024xf32> to vector<1024x1xf32>
    %mul3A_24 = arith.constant 2.000000e+00 : f32
    %mul3A_25 = vector.broadcast %mul3A_24 : f32 to vector<1024x2048xf32>
    %mul3A_26 = arith.mulf %mul3A_25, %dot_general3A_16 : vector<1024x2048xf32>
    %sub3A = vector.broadcast %broadcast_in_dim3A : vector<1024x1xf32> to vector<1024x2048xf32>
    %sub3A_27 = arith.subf %mul3A_26, %sub3A : vector<1024x2048xf32>
    %reduce_max3A = arith.constant dense<0xFF800000> : vector<2048xf32>
    %reduce_max3A_28 = vector.multi_reduction <maximumf>, %sub3A_27, %reduce_max3A [0] : vector<1024x2048xf32> to vector<2048xf32>
    %broadcast_in_dim3A_29 = vector.shape_cast %reduce_max3A_28 : vector<2048xf32> to vector<1x2048xf32>
    %iota3A = tpu.iota {dimensions = array<i32: 0>} : vector<1024x2048xi32>
    %eq3A = vector.broadcast %broadcast_in_dim3A_29 : vector<1x2048xf32> to vector<1024x2048xf32>
    %eq3A_30 = arith.cmpf oeq, %sub3A_27, %eq3A : vector<1024x2048xf32>
    %jit3A = arith.constant 1024 : i32
    %broadcast_in_dim3A_31 = vector.broadcast %jit3A : i32 to vector<1024x2048xi32>
    %select_n3A = arith.select %eq3A_30, %iota3A, %broadcast_in_dim3A_31 : vector<1024x2048xi1>, vector<1024x2048xi32>
    %reduce_min3A = arith.constant dense<2147483647> : vector<2048xi32>
    %reduce_min3A_32 = vector.multi_reduction <minsi>, %select_n3A, %reduce_min3A [0] : vector<1024x2048xi32> to vector<2048xi32>
    %broadcast_in_dim3A_33 = vector.shape_cast %reduce_min3A_32 : vector<2048xi32> to vector<1x2048xi32>
    %swap3A = arith.constant 0 : index
    %swap3A_34 = arith.constant 0 : index
    %swap3A_35 = arith.constant 0 : index
    %swap3A_36 = vector.load %arg5[%swap3A, %swap3A_34, %swap3A_35] : memref<1x1x2048xi32, #tpu.memory_space<vmem>>, vector<1x1x2048xi32>
    %swap3A_37 = vector.shape_cast %swap3A_36 : vector<1x1x2048xi32> to vector<1x2048xi32>
    %swap3A_38 = vector.shape_cast %broadcast_in_dim3A_33 : vector<1x2048xi32> to vector<1x1x2048xi32>
    tpu.vector_store %arg5[%swap3A, %swap3A_34, %swap3A_35], %swap3A_38 {strides = array<i32>} : memref<1x1x2048xi32, #tpu.memory_space<vmem>>, vector<1x1x2048xi32>,
    return
  }
  func.func @transform_0(%arg0: i32) -> (i32, i32, i32) {
    %c0_i32 = arith.constant 0 : i32
    %c0_i32_0 = arith.constant 0 : i32
    %c0_i32_1 = arith.constant 0 : i32
    return %arg0, %c0_i32, %c0_i32_0 : i32, i32, i32
  }
  func.func @transform_1(%arg0: i32) -> (i32, i32) {
    %c0_i32 = arith.constant 0 : i32
    %c0_i32_0 = arith.constant 0 : i32
    %c0_i32_1 = arith.constant 0 : i32
    return %c0_i32, %c0_i32_0 : i32, i32
  }
  func.func @transform_2(%arg0: i32) -> (i32, i32) {
    %c0_i32 = arith.constant 0 : i32
    %c0_i32_0 = arith.constant 0 : i32
    %c0_i32_1 = arith.constant 0 : i32
    return %c0_i32, %c0_i32_0 : i32, i32
  }
  func.func @transform_3(%arg0: i32) -> (i32, i32) {
    %c0_i32 = arith.constant 0 : i32
    %c0_i32_0 = arith.constant 0 : i32
    %c0_i32_1 = arith.constant 0 : i32
    return %c0_i32, %c0_i32_0 : i32, i32
  }
  func.func @transform_4(%arg0: i32) -> (i32, i32, i32) {
    %c0_i32 = arith.constant 0 : i32
    %c0_i32_0 = arith.constant 0 : i32
    %c0_i32_1 = arith.constant 0 : i32
    return %arg0, %c0_i32, %c0_i32_0 : i32, i32, i32
  }
}

module attributes {stable_mosaic.version = 14 : i64} {
  func.func @_out_body(%arg0: i32, %arg1: memref<1x2048x128xf32, #tpu.memory_space<vmem>>, %arg2: memref<1024x64xf32, #tpu.memory_space<vmem>>, %arg3: memref<1024x1xf32, #tpu.memory_space<vmem>>, %arg4: memref<1x1024x2048xf32, #tpu.memory_space<vmem>>) attributes {dimension_semantics = [#tpu.dimension_semantics<parallel>], iteration_bounds = array<i64: 16>, scalar_prefetch = 0 : i64, scratch_operands = 0 : i64, tpu.core_type = #tpu.core_type<tc>, window_params = [{transform_indices = @transform_0, window_bounds = array<i64: 1, 2048, 128>}, {pipeline_mode = #tpu.pipeline_mode<synchronous>, transform_indices = @transform_1, window_bounds = array<i64: 1024, 64>}, {pipeline_mode = #tpu.pipeline_mode<synchronous>, transform_indices = @transform_2, window_bounds = array<i64: 1024, 1>}, {transform_indices = @transform_3, window_bounds = array<i64: 1, 1024, 2048>}]} {
    %get3A = arith.constant 0 : index
    %get3A_0 = arith.constant 0 : index
    %get3A_1 = arith.constant 0 : index
    %get3A_2 = vector.load %arg1[%get3A, %get3A_0, %get3A_1] : memref<1x2048x128xf32, #tpu.memory_space<vmem>>, vector<1x2048x128xf32>
    %get3A_3 = vector.shape_cast %get3A_2 : vector<1x2048x128xf32> to vector<2048x128xf32>
    %slice3A = vector.extract_strided_slice %get3A_3 {offsets = [0, 0], sizes = [2048, 64], strides = [1, 1]} : vector<2048x128xf32> to vector<2048x64xf32>
    %get3A_4 = arith.constant 0 : index
    %get3A_5 = arith.constant 0 : index
    %get3A_6 = vector.load %arg2[%get3A_4, %get3A_5] : memref<1024x64xf32, #tpu.memory_space<vmem>>, vector<1024x64xf32>
    %dot_general3A = arith.constant dense<0.000000e+00> : vector<1024x2048xf32>
    %dot_general3A_7 = tpu.matmul %get3A_6, %slice3A, %dot_general3A {dimension_numbers = #tpu.dot_dimension_numbers<[1], [1], [0], [0], [0, 0, 1, 0], [], []>, transpose_lhs_hint = false} : vector<1024x64xf32>, vector<2048x64xf32>, vector<1024x2048xf32> -> vector<1024x2048xf32>
    %get3A_8 = arith.constant 0 : index
    %get3A_9 = arith.constant 0 : index
    %get3A_10 = vector.load %arg3[%get3A_8, %get3A_9] : memref<1024x1xf32, #tpu.memory_space<vmem>>, vector<1024x1xf32>
    %add3A = vector.broadcast %get3A_10 : vector<1024x1xf32> to vector<1024x2048xf32>
    %add3A_11 = arith.addf %dot_general3A_7, %add3A : vector<1024x2048xf32>
    %swap3A = arith.constant 0 : index
    %swap3A_12 = arith.constant 0 : index
    %swap3A_13 = arith.constant 0 : index
    %swap3A_14 = vector.load %arg4[%swap3A, %swap3A_12, %swap3A_13] : memref<1x1024x2048xf32, #tpu.memory_space<vmem>>, vector<1x1024x2048xf32>
    %swap3A_15 = vector.shape_cast %swap3A_14 : vector<1x1024x2048xf32> to vector<1024x2048xf32>
    %swap3A_16 = vector.shape_cast %add3A_11 : vector<1024x2048xf32> to vector<1x1024x2048xf32>
    tpu.vector_store %arg4[%swap3A, %swap3A_12, %swap3A_13], %swap3A_16 {strides = array<i32>} : memref<1x1024x2048xf32, #tpu.memory_space<vmem>>, vector<1x1024x2048xf32>,
    return
  }
  func.func @transform_0(%arg0: i32) -> (i32, i32, i32) {
    %c0_i32 = arith.constant 0 : i32
    %c0_i32_0 = arith.constant 0 : i32
    %c0_i32_1 = arith.constant 0 : i32
    return %arg0, %c0_i32, %c0_i32_0 : i32, i32, i32
  }
  func.func @transform_1(%arg0: i32) -> (i32, i32) {
    %c0_i32 = arith.constant 0 : i32
    %c0_i32_0 = arith.constant 0 : i32
    %c0_i32_1 = arith.constant 0 : i32
    return %c0_i32, %c0_i32_0 : i32, i32
  }
  func.func @transform_2(%arg0: i32) -> (i32, i32) {
    %c0_i32 = arith.constant 0 : i32
    %c0_i32_0 = arith.constant 0 : i32
    %c0_i32_1 = arith.constant 0 : i32
    return %c0_i32, %c0_i32_0 : i32, i32
  }
  func.func @transform_3(%arg0: i32) -> (i32, i32, i32) {
    %c0_i32 = arith.constant 0 : i32
    %c0_i32_0 = arith.constant 0 : i32
    %c0_i32_1 = arith.constant 0 : i32
    return %arg0, %c0_i32, %c0_i32_0 : i32, i32, i32
  }
}

</mosaic_0001>

<sc_bundles>
// kernel: kernel.5.cloned.1.call-start
scs
__scs_entry_jumppad:
0x0: {  	(pc) =	sbr.rel $0x88, $3  }
0x1: {  	(tag) =	ssettag $0x0;
	lr =	simm.s32 $0x1  }
0x2: {  	[smem:$0x3F9B] =	sst lr;
	_ =	strace $0xD0000000  }
0x3: {  	_ = 	snop  }
0x4: {  	_ = 	snop  }
0x5: {  	_ = 	snop  }
0x6: {  	_ = 	snop  }
0x7: {  	_ = 	snop  }
__scs_overlays_trampoline_lowered:
0x8: {  	[smem:$0x3FAA] =	sst s0  }
0x9: {  	[smem:$0x3FAB] =	sst s1  }
0xa: {  	[smem:$0x3FAC] =	sst s2  }
0xb: {  	[smem:$0x3FAD] =	sst s3  }
0xc: {  	[smem:$0x3FAE] =	sst s4  }
0xd: {  	[smem:$0x3FAF] =	sst s5  }
0xe: {  	[smem:$0x3FB0] =	sst s6  }
0xf: {  	[smem:$0x3FB1] =	sst s7  }
0x10: {  	[smem:$0x3FB2] =	sst s8  }
0x11: {  	[smem:$0x3FB3] =	sst s9;
	s0 =	simm.s32 @!p0 $0x0  }
0x12: {  	s1 =	sld [smem:$0x3F99];
	s0 =	simm.s32 @p0 $0x1  }
0x13: {  	[smem:$0x3FB4] =	sst s0;
	s0 =	simm.s32 @!p1 $0x0  }
0x14: {  	s2 =	sld [smem:$0x3F98];
	s0 =	simm.s32 @p1 $0x1  }
0x15: {  	[smem:$0x3FB5] =	sst s0;
	s0 =	simm.s32 @!p2 $0x0  }
0x16: {  	s3 =	sld [smem:$0x3FDB];
	s0 =	simm.s32 @p2 $0x1  }
0x17: {  	s4 =	simm.s32 $0x1BF5;
	[smem:$0x3FB7] =	sst s0  }
0x18: {  	s0 =	sld [smem:$0x3F9A];
	_ =	swait.ge [sflag:s4], $0x0  }
0x19: {  	s7 =	sld [smem:$0x3F9B]  }
0x1a: {  	s8 =	sadd.s32 $0xFFFFE003, lr  }
0x1b: {  	s9 =	sadd.s32 $0xFFFFFEF7, lr;
	s5 =	simm.s32 $0xFFFFFFFF;
	p2 =	slt.u32 s8, $0xFFFFF086  }
0x1c: {  	p1 =	slt.u32 s9, $0xF7A;
	s5 =	simm.s32 @!p2 $0x0  }
0x1d: {  	s5 =	simm.s32 @p1 $0x1;
	p0 =	seq.s32 s7, s2  }
0x1e: {  	s7 =	smul.u32 @!p0 $0xF7A, s2;
	p2 =	seq.s32 @!p0 s5, $0x0  }
0x1f: {  	s9 =	smul.u32 $0xF7A, s1;
	s8 =	simm.s32 @!p0 $0x1BF5;
	p2 =	por !p2, p0  }
0x20: {  	[sflag:s8] =	ssyncset.s32 @!p0 $0xFFFFF086;
	s6 =	sadd.s32 @!p0 s3, s7;
	s7 =	simm.s32 @!p0 $0x108  }
0x21: {  	s3 =	sadd.s32 s3, s9;
	s6 =	sadd.s32 @!p0 $0x88, s6;
	s7 =	simm.s32 @p2 $0x1082  }
0x22: {  	[simem:s7], [sflag:s8] =	dma.local @!p0 [hbm:s6], $0xF7A  }
0x23: {  	s9 =	sor.u32 $0xD0000000, s2;
	s6 =	simm.s32 $0x108;
	_ =	swait.ge @!p0 [sflag:s8], $0x0  }
0x24: {  	s3 =	sadd.s32 $0x88, s3;
	s6 =	simm.s32 @!p1 $0x1082;
	[sflag:s4] =	ssyncset.s32 $0xFFFFF086  }
0x25: {  	[simem:s6], [sflag:s4] =	dma.local [hbm:s3], $0xF7A  }
0x26: {  	[smem:$0x3F9B] =	sst s1;
	(tag) =	ssettag s2;
	_ =	strace s9  }
0x27: {  	s1 =	sld [smem:$0x3FAB]  }
0x28: {  	s2 =	sld [smem:$0x3FAC]  }
0x29: {  	s4 =	sld [smem:$0x3FAE]  }
0x2a: {  	p0 =	seq.s32 s5, $0x0;
	s5 =	sld [smem:$0x3FAF]  }
0x2b: {  	s6 =	sld [smem:$0x3FB0]  }
0x2c: {  	s7 =	sld [smem:$0x3FB1]  }
0x2d: {  	s3 =	simm.s32 $0x108;
	s8 =	sld [smem:$0x3FB2]  }
0x2e: {  	s3 =	simm.s32 @!p0 $0x1082;
	s9 =	sld [smem:$0x3FB3]  }
0x2f: {  	lr =	sadd.s32 s0, s3;
	s0 =	sld [smem:$0x3FAA]  }
0x30: {  	s3 =	sld [smem:$0x3FAD]  }
0x31: {  	[smem:$0x3FB6] =	sst s10  }
0x32: {  	s10 =	sld [smem:$0x3FB4];
	_ =	sdelay $0x3  }
0x33: {  	p0 =	seq.s32 s10, $0x1;
	s10 =	sld [smem:$0x3FB6];
	_ =	sdelay $0x3  }
0x34: {  	[smem:$0x3FB6] =	sst s10  }
0x35: {  	s10 =	sld [smem:$0x3FB5];
	_ =	sdelay $0x3  }
0x36: {  	p1 =	seq.s32 s10, $0x1;
	s10 =	sld [smem:$0x3FB6];
	_ =	sdelay $0x3  }
0x37: {  	[smem:$0x3FB6] =	sst s10  }
0x38: {  	s10 =	sld [smem:$0x3FB7]  }
0x39: {  	_ = 	snop;
	(pc) =	sbr.ind lr, $3  }
0x3a: {  	_ = 	snop  }
0x3b: {  	_ = 	snop  }
0x3c: {  	p2 =	seq.s32 s10, $0x1;
	s10 =	sld [smem:$0x3FB6]  }
0x3d: {  	_ =	shalt  }
0x3e: {  	_ =	shalt  }
0x3f: {  	_ =	shalt  }
0x40: {  	_ =	shalt  }
0x41: {  	_ =	shalt  }
0x42: {  	_ =	shalt  }
0x43: {  	_ =	shalt  }
0x44: {  	_ =	shalt  }
0x45: {  	_ =	shalt  }
0x46: {  	_ =	shalt  }
0x47: {  	_ =	shalt  }
0x48: {  	_ =	shalt  }
0x49: {  	_ =	shalt  }
0x4a: {  	_ =	shalt  }
0x4b: {  	_ =	shalt  }
0x4c: {  	_ =	shalt  }
0x4d: {  	_ =	shalt  }
0x4e: {  	_ =	shalt  }
0x4f: {  	_ =	shalt  }
0x50: {  	_ =	shalt  }
0x51: {  	_ =	shalt  }
0x52: {  	_ =	shalt  }
0x53: {  	_ =	shalt  }
0x54: {  	_ =	shalt  }
0x55: {  	_ =	shalt  }
0x56: {  	_ =	shalt  }
0x57: {  	_ =	shalt  }
0x58: {  	_ =	shalt  }
0x59: {  	_ =	shalt  }
0x5a: {  	_ =	shalt  }
0x5b: {  	_ =	shalt  }
0x5c: {  	_ =	shalt  }
0x5d: {  	_ =	shalt  }
0x5e: {  	_ =	shalt  }
0x5f: {  	_ =	shalt  }
0x60: {  	_ =	shalt  }
0x61: {  	_ =	shalt  }
0x62: {  	_ =	shalt  }
0x63: {  	_ =	shalt  }
0x64: {  	_ =	shalt  }
0x65: {  	_ =	shalt  }
0x66: {  	_ =	shalt  }
0x67: {  	_ =	shalt  }
0x68: {  	_ =	shalt  }
0x69: {  	_ =	shalt  }
0x6a: {  	_ =	shalt  }
0x6b: {  	_ =	shalt  }
0x6c: {  	_ =	shalt  }
0x6d: {  	_ =	shalt  }
0x6e: {  	_ =	shalt  }
0x6f: {  	_ =	shalt  }
0x70: {  	_ =	shalt  }
0x71: {  	_ =	shalt  }
0x72: {  	_ =	shalt  }
0x73: {  	_ =	shalt  }
0x74: {  	_ =	shalt  }
0x75: {  	_ =	shalt  }
0x76: {  	_ =	shalt  }
0x77: {  	_ =	shalt  }
0x78: {  	_ =	shalt  }
0x79: {  	_ =	shalt  }
0x7a: {  	_ =	shalt  }
0x7b: {  	_ =	shalt  }
0x7c: {  	_ =	shalt  }
0x7d: {  	_ =	shalt  }
0x7e: {  	_ =	shalt  }
0x7f: {  	_ =	shalt  }
0x80: {  	_ =	shalt  }
0x81: {  	_ =	shalt  }
0x82: {  	_ =	shalt  }
0x83: {  	_ =	shalt  }
0x84: {  	_ =	shalt  }
0x85: {  	_ =	shalt  }
0x86: {  	_ =	shalt  }
0x87: {  	_ =	shalt  }
.Lfunc_end0:
.L_simem_size_0:
called_computation_lowered:
.L_overlay_start_0:
0x88: {  	s2 =	sld [smem:$0x3FD9]  }
0x89: {  	s3 =	sld [smem:$0x3FFE];
	_ =	sdelay $0x1  }
0x8a: {  	s1 =	srdreg.scid  }
0x8b: {  	s0 =	sand.u32 $0x1, s1  }
0x8c: {  	s17 =	sshll.u32 s0, $0xA;
	s2 =	sadd.s32 s3, s2  }
0x8d: {  	s2 =	sadd.s32 s2, s17  }
0x8e: {  	[smem:$0x3FC2] =	sst s2  }
0x8f: {  	_ = 	snop  }
0x90: {  	s2 =	sld [smem:$0x3FD0];
	(tm) =	ssettm $0x1  }
0x91: {  	s18 =	sld [smem:$0x3FFB];
	_ =	sdelay $0x3  }
0x92: {  	_ =	strace s18  }
0x93: {  	s3 =	sld [smem:$0x3FFC];
	_ =	sdelay $0x3  }
0x94: {  	_ =	strace s3  }
0x95: {  	s3 =	sld [smem:$0x3FFD];
	_ =	sdelay $0x3  }
0x96: {  	_ =	strace s3  }
0x97: {  	_ =	strace $0x8FFFFFFF  }
0x98: {  	s19 =	sld [smem:$0x3FDB];
	_ =	sdelay $0x1  }
0x99: {  	s4 =	simm.s32 $_scs_section_size  }
0x9a: {  	s5 =	simm.s32 $_size__tile_overlayer_lowered;
	s6 =	simm.s32 $_tile_overlayer_lowered  }
0x9b: {  	s22 =	simm.s32 $0x1BFF;
	s21 =	sshll.u32 s6, $0x1;
	s3 =	sadd.s32 s4, s19  }
0x9c: {  	s7 =	simm.s32 $0x0;
	s20 =	sshll.u32 s5, $0x1;
	s5 =	sadd.s32 s21, s3  }
0x9d: {  	[timem:s7], [sflag:s22] =	dma.local [hbm:s5], s20  }
0x9e: {  	_ =	swait.ge [sflag:s22], s20  }
0x9f: {  	s4 =	ssub.s32 $0x0, s20;
	[sflag:s22] =	ssyncset.done $0x0  }
0xa0: {  	[sflag:s22] =	ssyncadd.s32 s4;
	_ =	sdelay $0x1  }
0xa1: {  	s23 =	simm.s32 $0x1B8B  }
0xa2: {  	_ =	swait.ge [sflag:s23], $0x1  }
0xa3: {  	[sflag:s23] =	ssyncset.done $0x0  }
0xa4: {  	s25 =	simm.s32 $0x1B8E;
	s24 =	sld [smem:$0x3FFE];
	[sflag:s23] =	ssyncadd.s32 $0xFFFFFFFF  }
0xa5: {  	s26 =	simm.s32 $execute0_lowered;
	[smem:$0x3FD2] =	sst s25  }
0xa6: {  	s5 =	sshll.u32 s26, $0x1;
	_ =	strace $0x80000046;
	[dreg:$0x1] =	wrdreg $0xFFFFFFFF  }
0xa7: {  	s28 =	simm.s32 $_size_execute0_lowered;
	s3 =	sadd.s32 s3, s5;
	[dreg:$0x0] =	wrdreg $0x0  }
0xa8: {  	s5 =	sshll.u32 s28, $0x1;
	[dreg:$0x2] =	wrdreg s3  }
0xa9: {  	[dreg:$0x3] =	wrdreg s5  }
0xaa: {  	[dreg:$0x4] =	wrdreg $0xC0  }
0xab: {  	_ =	task [dreg:s7], $0x5FFFF  }
0xac: {  	[dreg:$0x1] =	wrdreg $0xFFFFFFFF  }
0xad: {  	[dreg:$0x0] =	wrdreg $0x60  }
0xae: {  	[dreg:$0x2] =	wrdreg s24  }
0xaf: {  	[dreg:$0x3] =	wrdreg s2  }
0xb0: {  	[dreg:$0x4] =	wrdreg $0x81000  }
0xb1: {  	[dreg:$0x5] =	wrdreg $0x9  }
0xb2: {  	_ =	task.clear_ibuf [dreg:s7], $0x6FFFF;
	_ =	strace $0x90000046  }
0xb3: {  	s29 =	simm.s32 $0x9;
	_ =	strace $0x80000048  }
0xb4: {  	_ =	swait.ge [sflag:s29], $0x1  }
0xb5: {  	[sflag:s29] =	ssyncadd.s32 $0xFFFFFFFF  }
0xb6: {  	_ =	strace $0x90000048  }
0xb7: {  	_ =	sfence  }
0xb8: {  	s30 =	sld [smem:$0x0];
	_ =	sdelay $0x2  }
0xb9: {  	s31 =	sshll.u32 s1, $0xD;
	s1 =	sshrl.u32 s1, $0x2  }
0xba: {  	s3 =	sand.u32 $0x4000, s31;
	s1 =	sadd.s32 s1, s30  }
0xbb: {  	s0 =	sor.u32 s3, s0;
	s1 =	sshll.u32 s1, $0x11  }
0xbc: {  	s0 =	sor.u32 s1, s0  }
0xbd: {  	s0 =	sadd.s32 $0x8F2B, s0  }
0xbe: {  	[sflag:s0] =	ssyncadd.remote.s32 $0x1  }
0xbf: {  	_ =	sfence.sel $0xFFFF  }
0xc0: {  	[dreg:$0x0] =	wrdreg $0xFFFFFFFF;
	(pc) =	sbr.abs _section_cstart, $3  }
0xc1: {  	[dreg:$0x1] =	wrdreg $0xFFFFFFFF  }
0xc2: {  	_ =	task.clear_ibuf [dreg:s7], $0x2FFFF;
	_ =	strace $0x9FFFFFFF  }
0xc3: {  	(tm) =	ssettm $0x7FFFFFFF  }
tec
execute0_lowered:
.L_overlay_start_1:
0x0: {  	(tag) =	ssettag $0x1  }
0x1: {  	s3 =	rddreg [dreg:$0x0]  }
0x2: {  	s4 =	rddreg [dreg:$0x1]  }
0x3: {  	s2 =	rddreg [dreg:$0x2]  }
0x4: {  	s0 =	rddreg [dreg:$0x3];
	s1 =	simm.s32 $0x0  }
0x5: {  	s5 =	srdreg.scid;
	s6 =	stileid.u32;
	p1 =	por $0x0, $0x0  }
0x6: {  	[smem:$0x7FF] =	sst s1;
	s5 =	sand.u32 $0x1, s5;
	s8 =	sshll.u32 s6, $0xB  }
0x7: {  	s13 =	sadd.s32 $0xE00, s3;
	s3 =	sadd.s32 $0x4E00, s3;
	p0 =	sne.s32 s6, $0x0  }
0x8: {  	s6 =	simm.s32 $0x100;
	s7 =	ssub.s32 $0x2, s5;
	s5 =	sshll.u32 s5, $0xA  }
0x9: {  	_ =	strace $0x80000047;
	s9 =	sshrl.u32 s7, $0x1;
	s5 =	sor.u32 s5, s8  }
0xa: {  	s24 =	ssub.s32 s7, s9;
	s25 =	sshrl.u32 s5, $0x3;
	s26 =	sshll.u32 s5, $0x4  }
0xb: {  	s28 =	sor.u32 $0x100, s5;
	s30 =	sor.u32 $0x200, s5;
	s8 =	smax.u32 s24, $0x1  }
0xc: {  	s15 =	sor.u32 $0x300, s5;
	s14 =	sadd.s32 s3, s25;
	s18 =	sadd.s32 $0xFFFFFFFF, s8  }
0xd: {  	s12 =	sadd.s32 s4, s26;
	s29 =	sshrl.u32 s28, $0x3;
	p2 =	sne.s32 s18, $0x0  }
.Ltmp0:
0xe: {  	s9 =	sshll.u32 s28, $0x4;
	s10 =	sshrl.u32 s30, $0x3;
	(pc) =	sbr.rel @!p2 .LBB2_3-.Ltmp0, $4  }
0xf: {  	s7 =	sshll.u32 s30, $0x4;
	s5 =	sshrl.u32 s15, $0x3;
	s31 =	sshll.u32 s15, $0x4  }
0x10: {  	s15 =	sshrl.u32 @!p0 s2, $0x3;
	s11 =	sadd.s32 s3, s29;
	s9 =	sadd.s32 s4, s9  }
0x11: {  	s10 =	sadd.s32 s3, s10;
	s7 =	sadd.s32 s4, s7;
	s5 =	sadd.s32 s3, s5  }
0x12: {  	s3 =	sadd.s32 s4, s31;
	s4 =	simm.s32 $0x2;
	s8 =	simm.s32 $0x1  }
0x13: {  	s16 =	simm.s32 @!p0 $0x1C02;
	s17 =	simm.s32 @!p0 $0x2  }
0x14: {  	[spmem:s15], [sflag:s16] =	dma.local @!p0 [hbm:s13], $0x4000  }
0x15: {  	_ =	swait.ge @!p0 [sflag:s17], $0x4000  }
0x16: {  	[sflag:s17] =	ssyncset.done @!p0 $0x0  }
0x17: {  	[sflag:s17] =	ssyncadd.s32 @!p0 $0xFFFFC000  }
0x18: {  	[bflag:$0x0] =	sbarrier.arrive $0xFFFF  }
0x19: {  	[tilespmem:s1], [sflag:$0x2] =	stream.linear.gather [hbm4b:s14+s1], $0x100, $0x38;
	[tilespmem:$0xA100] =	vst v63  }
0x1a: {  	_ =	swait.ge [sflag:s4], $0x100  }
0x1b: {  	[sflag:s4] =	ssyncset.done $0x0  }
0x1c: {  	[sflag:s4] =	ssyncadd.s32 $0xFFFFFF00  }
0x1d: {  	[tilespmem:s6], [sflag:$0x1] =	stream.indirect.gather [spmem:s2], $0x80, s1, s6, $0xb8;
	[tilespmem:$0xA100] =	vst v63  }
0x1e: {  	_ =	swait.ge [sflag:s8], $0x8000  }
0x1f: {  	[sflag:s8] =	ssyncset.done $0x0  }
0x20: {  	[sflag:s8] =	ssyncadd.s32 $0xFFFF8000  }
0x21: {  	[hbm4b:s12+s1] =	stream.linear.scatter [tilespmem:s6], [sflag:$0x2], $0x8000, $0x38;
	[tilespmem:$0xA100] =	vst v63  }
0x22: {  	_ =	swait.ge [sflag:s4], $0x8000  }
0x23: {  	[sflag:s4] =	ssyncset.done $0x0  }
0x24: {  	[sflag:s4] =	ssyncadd.s32 $0xFFFF8000  }
0x25: {  	[tilespmem:s1], [sflag:$0x2] =	stream.linear.gather [hbm4b:s11+s1], $0x100, $0x38;
	[tilespmem:$0xA100] =	vst v63  }
0x26: {  	_ =	swait.ge [sflag:s4], $0x100  }
0x27: {  	[sflag:s4] =	ssyncset.done $0x0  }
0x28: {  	[sflag:s4] =	ssyncadd.s32 $0xFFFFFF00  }
0x29: {  	[tilespmem:s6], [sflag:$0x1] =	stream.indirect.gather [spmem:s2], $0x80, s1, s6, $0xb8;
	[tilespmem:$0xA100] =	vst v63  }
0x2a: {  	_ =	swait.ge [sflag:s8], $0x8000  }
0x2b: {  	[sflag:s8] =	ssyncset.done $0x0  }
0x2c: {  	[sflag:s8] =	ssyncadd.s32 $0xFFFF8000  }
0x2d: {  	[hbm4b:s9+s1] =	stream.linear.scatter [tilespmem:s6], [sflag:$0x2], $0x8000, $0x38;
	[tilespmem:$0xA100] =	vst v63  }
0x2e: {  	_ =	swait.ge [sflag:s4], $0x8000  }
0x2f: {  	[sflag:s4] =	ssyncset.done $0x0  }
0x30: {  	[sflag:s4] =	ssyncadd.s32 $0xFFFF8000  }
0x31: {  	[tilespmem:s1], [sflag:$0x2] =	stream.linear.gather [hbm4b:s10+s1], $0x100, $0x38;
	[tilespmem:$0xA100] =	vst v63  }
0x32: {  	_ =	swait.ge [sflag:s4], $0x100  }
0x33: {  	[sflag:s4] =	ssyncset.done $0x0  }
0x34: {  	[sflag:s4] =	ssyncadd.s32 $0xFFFFFF00  }
0x35: {  	[tilespmem:s6], [sflag:$0x1] =	stream.indirect.gather [spmem:s2], $0x80, s1, s6, $0xb8;
	[tilespmem:$0xA100] =	vst v63  }
0x36: {  	_ =	swait.ge [sflag:s8], $0x8000  }
0x37: {  	[sflag:s8] =	ssyncset.done $0x0  }
0x38: {  	[sflag:s8] =	ssyncadd.s32 $0xFFFF8000  }
0x39: {  	[hbm4b:s7+s1] =	stream.linear.scatter [tilespmem:s6], [sflag:$0x2], $0x8000, $0x38;
	[tilespmem:$0xA100] =	vst v63  }
0x3a: {  	_ =	swait.ge [sflag:s4], $0x8000  }
0x3b: {  	[sflag:s4] =	ssyncset.done $0x0  }
0x3c: {  	[sflag:s4] =	ssyncadd.s32 $0xFFFF8000  }
0x3d: {  	[tilespmem:s1], [sflag:$0x2] =	stream.linear.gather [hbm4b:s5+s1], $0x100, $0x38;
	[tilespmem:$0xA100] =	vst v63  }
0x3e: {  	_ =	swait.ge [sflag:s4], $0x100  }
0x3f: {  	[sflag:s4] =	ssyncset.done $0x0  }
0x40: {  	s18 =	sadd.s32 $0xFFFFFFFF, s18;
	[sflag:s4] =	ssyncadd.s32 $0xFFFFFF00  }
0x41: {  	[tilespmem:s6], [sflag:$0x1] =	stream.indirect.gather [spmem:s2], $0x80, s1, s6, $0xb8;
	[tilespmem:$0xA100] =	vst v63  }
0x42: {  	p2 =	sne.s32 s18, $0x0;
	_ =	swait.ge [sflag:s8], $0x8000  }
.Ltmp1:
0x43: {  	[sflag:s8] =	ssyncset.done $0x0;
	(pc) =	sbr.rel @!p2 .LBB2_3-.Ltmp1, $4  }
0x44: {  	[sflag:s8] =	ssyncadd.s32 $0xFFFF8000  }
0x45: {  	[hbm4b:s3+s1] =	stream.linear.scatter [tilespmem:s6], [sflag:$0x2], $0x8000, $0x38;
	[tilespmem:$0xA100] =	vst v63  }
0x46: {  	_ =	swait.ge [sflag:s4], $0x8000  }
0x47: {  	p1 =	por $0x1, $0x1;
	[sflag:s4] =	ssyncset.done $0x0  }
.LBB2_2:
0x48: {  	[sflag:s4] =	ssyncadd.s32 $0xFFFF8000  }
0x49: {  	[spmem:s15], [sflag:s16] =	dma.local @!p0 [hbm:s13], $0x4000  }
0x4a: {  	s18 =	sadd.s32 $0xFFFFFFFF, s18;
	_ =	swait.ge @!p0 [sflag:s17], $0x4000  }
0x4b: {  	p2 =	sne.s32 s18, $0x0;
	[sflag:s17] =	ssyncset.done @!p0 $0x0  }
0x4c: {  	[sflag:s17] =	ssyncadd.s32 @!p0 $0xFFFFC000  }
0x4d: {  	[bflag:$0x0] =	sbarrier.arrive $0xFFFF  }
0x4e: {  	[tilespmem:s1], [sflag:$0x2] =	stream.linear.gather [hbm4b:s14+s1], $0x100, $0x38;
	[tilespmem:$0xA100] =	vst v63  }
0x4f: {  	_ =	swait.ge [sflag:s4], $0x100  }
0x50: {  	[sflag:s4] =	ssyncset.done $0x0  }
0x51: {  	[sflag:s4] =	ssyncadd.s32 $0xFFFFFF00  }
0x52: {  	[tilespmem:s6], [sflag:$0x1] =	stream.indirect.gather [spmem:s2], $0x80, s1, s6, $0xb8;
	[tilespmem:$0xA100] =	vst v63  }
0x53: {  	_ =	swait.ge [sflag:s8], $0x8000  }
0x54: {  	[sflag:s8] =	ssyncset.done $0x0  }
0x55: {  	[sflag:s8] =	ssyncadd.s32 $0xFFFF8000  }
0x56: {  	[hbm4b:s12+s1] =	stream.linear.scatter [tilespmem:s6], [sflag:$0x2], $0x8000, $0x38;
	[tilespmem:$0xA100] =	vst v63  }
0x57: {  	_ =	swait.ge [sflag:s4], $0x8000  }
0x58: {  	[sflag:s4] =	ssyncset.done $0x0  }
0x59: {  	[sflag:s4] =	ssyncadd.s32 $0xFFFF8000  }
0x5a: {  	[tilespmem:s1], [sflag:$0x2] =	stream.linear.gather [hbm4b:s11+s1], $0x100, $0x38;
	[tilespmem:$0xA100] =	vst v63  }
0x5b: {  	_ =	swait.ge [sflag:s4], $0x100  }
0x5c: {  	[sflag:s4] =	ssyncset.done $0x0  }
0x5d: {  	[sflag:s4] =	ssyncadd.s32 $0xFFFFFF00  }
0x5e: {  	[tilespmem:s6], [sflag:$0x1] =	stream.indirect.gather [spmem:s2], $0x80, s1, s6, $0xb8;
	[tilespmem:$0xA100] =	vst v63  }
0x5f: {  	_ =	swait.ge [sflag:s8], $0x8000  }
0x60: {  	[sflag:s8] =	ssyncset.done $0x0  }
0x61: {  	[sflag:s8] =	ssyncadd.s32 $0xFFFF8000  }
0x62: {  	[hbm4b:s9+s1] =	stream.linear.scatter [tilespmem:s6], [sflag:$0x2], $0x8000, $0x38;
	[tilespmem:$0xA100] =	vst v63  }
0x63: {  	_ =	swait.ge [sflag:s4], $0x8000  }
0x64: {  	[sflag:s4] =	ssyncset.done $0x0  }
0x65: {  	[sflag:s4] =	ssyncadd.s32 $0xFFFF8000  }
0x66: {  	[tilespmem:s1], [sflag:$0x2] =	stream.linear.gather [hbm4b:s10+s1], $0x100, $0x38;
	[tilespmem:$0xA100] =	vst v63  }
0x67: {  	_ =	swait.ge [sflag:s4], $0x100  }
0x68: {  	[sflag:s4] =	ssyncset.done $0x0  }
0x69: {  	[sflag:s4] =	ssyncadd.s32 $0xFFFFFF00  }
0x6a: {  	[tilespmem:s6], [sflag:$0x1] =	stream.indirect.gather [spmem:s2], $0x80, s1, s6, $0xb8;
	[tilespmem:$0xA100] =	vst v63  }
0x6b: {  	_ =	swait.ge [sflag:s8], $0x8000  }
0x6c: {  	[sflag:s8] =	ssyncset.done $0x0  }
0x6d: {  	[sflag:s8] =	ssyncadd.s32 $0xFFFF8000  }
0x6e: {  	[hbm4b:s7+s1] =	stream.linear.scatter [tilespmem:s6], [sflag:$0x2], $0x8000, $0x38;
	[tilespmem:$0xA100] =	vst v63  }
0x6f: {  	_ =	swait.ge [sflag:s4], $0x8000  }
0x70: {  	[sflag:s4] =	ssyncset.done $0x0  }
0x71: {  	[sflag:s4] =	ssyncadd.s32 $0xFFFF8000  }
0x72: {  	[tilespmem:s1], [sflag:$0x2] =	stream.linear.gather [hbm4b:s5+s1], $0x100, $0x38;
	[tilespmem:$0xA100] =	vst v63  }
0x73: {  	_ =	swait.ge [sflag:s4], $0x100  }
0x74: {  	[sflag:s4] =	ssyncset.done $0x0  }
0x75: {  	[sflag:s4] =	ssyncadd.s32 $0xFFFFFF00  }
0x76: {  	[tilespmem:s6], [sflag:$0x1] =	stream.indirect.gather [spmem:s2], $0x80, s1, s6, $0xb8;
	[tilespmem:$0xA100] =	vst v63  }
0x77: {  	_ =	swait.ge [sflag:s8], $0x8000  }
.Ltmp2:
0x78: {  	[sflag:s8] =	ssyncset.done $0x0;
	(pc) =	sbr.rel @p2 .LBB2_2-.Ltmp2, $4  }
0x79: {  	[sflag:s8] =	ssyncadd.s32 $0xFFFF8000  }
0x7a: {  	[hbm4b:s3+s1] =	stream.linear.scatter [tilespmem:s6], [sflag:$0x2], $0x8000, $0x38;
	[tilespmem:$0xA100] =	vst v63  }
0x7b: {  	_ =	swait.ge [sflag:s4], $0x8000  }
0x7c: {  	[sflag:s4] =	ssyncset.done $0x0  }
.LBB2_3:
0x7d: {  	s16 =	simm.s32 @!p0 $0x1C02;
	s17 =	simm.s32 @!p0 $0x2;
	[sflag:s4] =	ssyncadd.s32 @p1 $0xFFFF8000  }
0x7e: {  	[spmem:s15], [sflag:s16] =	dma.local @!p0 [hbm:s13], $0x4000  }
0x7f: {  	_ =	swait.ge @!p0 [sflag:s17], $0x4000  }
0x80: {  	[sflag:s17] =	ssyncset.done @!p0 $0x0  }
0x81: {  	[sflag:s17] =	ssyncadd.s32 @!p0 $0xFFFFC000  }
0x82: {  	[bflag:$0x0] =	sbarrier.arrive $0xFFFF  }
0x83: {  	[tilespmem:s1], [sflag:$0x2] =	stream.linear.gather [hbm4b:s14+s1], $0x100, $0x38;
	[tilespmem:$0xA100] =	vst v63  }
0x84: {  	_ =	swait.ge [sflag:s4], $0x100  }
0x85: {  	[sflag:s4] =	ssyncset.done $0x0  }
0x86: {  	[sflag:s4] =	ssyncadd.s32 $0xFFFFFF00  }
0x87: {  	[tilespmem:s6], [sflag:$0x1] =	stream.indirect.gather [spmem:s2], $0x80, s1, s6, $0xb8;
	[tilespmem:$0xA100] =	vst v63  }
0x88: {  	_ =	swait.ge [sflag:s8], $0x8000  }
0x89: {  	[sflag:s8] =	ssyncset.done $0x0  }
0x8a: {  	[sflag:s8] =	ssyncadd.s32 $0xFFFF8000  }
0x8b: {  	[hbm4b:s12+s1] =	stream.linear.scatter [tilespmem:s6], [sflag:$0x2], $0x8000, $0x38;
	[tilespmem:$0xA100] =	vst v63  }
0x8c: {  	_ =	swait.ge [sflag:s4], $0x8000  }
0x8d: {  	[sflag:s4] =	ssyncset.done $0x0  }
0x8e: {  	[sflag:s4] =	ssyncadd.s32 $0xFFFF8000  }
0x8f: {  	[tilespmem:s1], [sflag:$0x2] =	stream.linear.gather [hbm4b:s11+s1], $0x100, $0x38;
	[tilespmem:$0xA100] =	vst v63  }
0x90: {  	_ =	swait.ge [sflag:s4], $0x100  }
0x91: {  	[sflag:s4] =	ssyncset.done $0x0  }
0x92: {  	[sflag:s4] =	ssyncadd.s32 $0xFFFFFF00  }
0x93: {  	[tilespmem:s6], [sflag:$0x1] =	stream.indirect.gather [spmem:s2], $0x80, s1, s6, $0xb8;
	[tilespmem:$0xA100] =	vst v63  }
0x94: {  	_ =	swait.ge [sflag:s8], $0x8000  }
0x95: {  	[sflag:s8] =	ssyncset.done $0x0  }
0x96: {  	[sflag:s8] =	ssyncadd.s32 $0xFFFF8000  }
0x97: {  	[hbm4b:s9+s1] =	stream.linear.scatter [tilespmem:s6], [sflag:$0x2], $0x8000, $0x38;
	[tilespmem:$0xA100] =	vst v63  }
0x98: {  	_ =	swait.ge [sflag:s4], $0x8000  }
0x99: {  	[sflag:s4] =	ssyncset.done $0x0  }
0x9a: {  	[sflag:s4] =	ssyncadd.s32 $0xFFFF8000  }
0x9b: {  	[tilespmem:s1], [sflag:$0x2] =	stream.linear.gather [hbm4b:s10+s1], $0x100, $0x38;
	[tilespmem:$0xA100] =	vst v63  }
0x9c: {  	_ =	swait.ge [sflag:s4], $0x100  }
0x9d: {  	[sflag:s4] =	ssyncset.done $0x0  }
0x9e: {  	[sflag:s4] =	ssyncadd.s32 $0xFFFFFF00  }
0x9f: {  	[tilespmem:s6], [sflag:$0x1] =	stream.indirect.gather [spmem:s2], $0x80, s1, s6, $0xb8;
	[tilespmem:$0xA100] =	vst v63  }
0xa0: {  	_ =	swait.ge [sflag:s8], $0x8000  }
0xa1: {  	[sflag:s8] =	ssyncset.done $0x0  }
0xa2: {  	[sflag:s8] =	ssyncadd.s32 $0xFFFF8000  }
0xa3: {  	[hbm4b:s7+s1] =	stream.linear.scatter [tilespmem:s6], [sflag:$0x2], $0x8000, $0x38;
	[tilespmem:$0xA100] =	vst v63  }
0xa4: {  	_ =	swait.ge [sflag:s4], $0x8000  }
0xa5: {  	[sflag:s4] =	ssyncset.done $0x0  }
0xa6: {  	[sflag:s4] =	ssyncadd.s32 $0xFFFF8000  }
0xa7: {  	[tilespmem:s1], [sflag:$0x2] =	stream.linear.gather [hbm4b:s5+s1], $0x100, $0x38;
	[tilespmem:$0xA100] =	vst v63  }
0xa8: {  	_ =	swait.ge [sflag:s4], $0x100  }
0xa9: {  	[sflag:s4] =	ssyncset.done $0x0  }
0xaa: {  	[sflag:s4] =	ssyncadd.s32 $0xFFFFFF00  }
0xab: {  	[tilespmem:s6], [sflag:$0x1] =	stream.indirect.gather [spmem:s2], $0x80, s1, s6, $0xb8;
	[tilespmem:$0xA100] =	vst v63  }
0xac: {  	_ =	swait.ge [sflag:s8], $0x8000  }
0xad: {  	[sflag:s8] =	ssyncset.done $0x0  }
0xae: {  	[sflag:s8] =	ssyncadd.s32 $0xFFFF8000  }
0xaf: {  	[hbm4b:s3+s1] =	stream.linear.scatter [tilespmem:s6], [sflag:$0x2], $0x8000, $0x38;
	[tilespmem:$0xA100] =	vst v63  }
0xb0: {  	_ =	swait.ge [sflag:s4], $0x8000  }
0xb1: {  	[sflag:s4] =	ssyncset.done $0x0  }
0xb2: {  	[sflag:s4] =	ssyncadd.s32 $0xFFFF8000  }
0xb3: {  	_ =	sfence.sel $0x180000  }
0xb4: {  	[bflag:$0x0] =	sbarrier.arrive $0xFFFF  }
0xb5: {  	_ =	strace $0x90000047  }
0xb6: {  	s0 =	sadd.s32 @!p0 $0x100000, s0;
	[bflag:$0x2] =	sbarrier.arrive $0xFFFF  }
0xb7: {  	[sflag:s0] =	ssyncadd.tile.s32 @!p0 $0x1;
	_ =	shalt  }
.Lfunc_end2:
_tile_overlayer_lowered:
.L_overlay_start_2:
0xb8: {  	(tag) =	ssettag $0x2  }
0xb9: {  	s0 =	rddreg [dreg:$0x0];
	s2 =	stileid.u32  }
0xba: {  	s1 =	rddreg [dreg:$0x1];
	p0 =	sne.s32 s2, $0x0  }
0xbb: {  	s3 =	rddreg [dreg:$0x2];
	[bflag:$0x3] =	sbarrier.arrive $0xFFFF;
	s2 =	simm.s32 @!p0 $0x1C02  }
0xbc: {  	[timem:s3], [sflag:s2] =	dma.local @!p0 [hbm:s0], s1  }
0xbd: {  	s0 =	simm.s32 @!p0 $0x2  }
0xbe: {  	_ =	swait.ge @!p0 [sflag:s0], s1  }
0xbf: {  	s1 =	ssub.s32 @!p0 $0x0, s1;
	[sflag:s0] =	ssyncset.done @!p0 $0x0  }
0xc0: {  	[sflag:s0] =	ssyncadd.s32 @!p0 s1  }
0xc1: {  	[bflag:$0x3] =	sbarrier.arrive $0xFFFF  }
0xc2: {  	_ =	shalt  }

</sc_bundles>
